<compile_context>
chip_gen: v7x
topology: tpu7x:2x2x1
jax: 0.10.2.dev20260603
libtpu: 0.0.44.dev20260713+nightly
codegen_flags: <defaults>
</compile_context>

<pallas_src>
import functools

import jax
import jax.numpy as jnp
from jax import lax
from jax.experimental import pallas as pl
from jax.experimental.pallas import tpu as pltpu
from jax.experimental.pallas import tpu_sc as plsc

N = 10000
E = 320000
H = 128
HH = H // 2
L = 4
R = 3

NC = 2
NS = 16

STRIDE = 10080
ACC_ROWS = R * STRIDE
ROWCHUNK = 80
N_ROWCHUNKS = ACC_ROWS // ROWCHUNK
CHUNK = 64
EP_TILE = 20480
EP = NS * EP_TILE
N_CHUNKS = EP_TILE // CHUNK
BPB = 4
NB = N_CHUNKS // BPB

BN = 1000
GRID = N // BN


def _seg_kernel(x_hbm, idx_hbm, zeros_hbm, out_hbm,
                buf_a, buf_b, rows_a, rows_b, acc_sh,
                sem_ia, sem_ib, sem_a, sem_b, sem_z):
    c = lax.axis_index("c")
    s = lax.axis_index("s")

    def fetch_idx(blk, buf, isem):
        pltpu.async_copy(idx_hbm.at[c, s, blk], buf, isem)

    def wait_idx(blk, buf, isem):
        pltpu.make_async_copy(idx_hbm.at[c, s, blk], buf, isem).wait()

    def issue_gather(buf, u, rows, sem):
        pltpu.async_copy(x_hbm.at[buf.at[u, 0]], rows, sem)

    def wait_gather(buf, u, rows, sem):
        pltpu.make_async_copy(x_hbm.at[buf.at[u, 0]], rows, sem).wait()

    def issue_scat(buf, u, rows, sem):
        pltpu.async_copy(rows, acc_sh.at[buf.at[u, 1]], sem, add=True)

    def wait_scat(buf, u, rows, sem):
        pltpu.make_async_copy(rows, acc_sh.at[buf.at[u, 1]], sem).wait()

    fetch_idx(0, buf_a, sem_ia)
    fetch_idx(1, buf_b, sem_ib)

    @pl.loop(0, pl.cdiv(N_ROWCHUNKS, NS))
    def _(i):
        k = i * NS + s

        @pl.when(k < N_ROWCHUNKS)
        def _():
            pltpu.async_copy(zeros_hbm,
                             acc_sh.at[pl.ds(k * ROWCHUNK, ROWCHUNK)], sem_z)

    @pl.loop(0, pl.cdiv(N_ROWCHUNKS, NS))
    def _(i):
        k = i * NS + s

        @pl.when(k < N_ROWCHUNKS)
        def _():
            pltpu.make_async_copy(
                zeros_hbm, acc_sh.at[pl.ds(k * ROWCHUNK, ROWCHUNK)],
                sem_z).wait()

    wait_idx(0, buf_a, sem_ia)
    issue_gather(buf_a, 0, rows_a, sem_a)
    issue_gather(buf_a, 1, rows_b, sem_b)
    plsc.subcore_barrier()

    def do_block(blk, buf, isem, obuf, oisem):
        for p in range(BPB // 2):
            u = 2 * p
            wait_gather(buf, u, rows_a, sem_a)
            issue_scat(buf, u, rows_a, sem_a)
            wait_gather(buf, u + 1, rows_b, sem_b)
            issue_scat(buf, u + 1, rows_b, sem_b)
            wait_scat(buf, u, rows_a, sem_a)
            if u + 2 < BPB:
                issue_gather(buf, u + 2, rows_a, sem_a)
            else:
                @pl.when(blk + 1 < NB)
                def _():
                    wait_idx(blk + 1, obuf, oisem)
                    issue_gather(obuf, 0, rows_a, sem_a)
            wait_scat(buf, u + 1, rows_b, sem_b)
            if u + 3 < BPB:
                issue_gather(buf, u + 3, rows_b, sem_b)
            else:
                @pl.when(blk + 1 < NB)
                def _():
                    issue_gather(obuf, 1, rows_b, sem_b)

        @pl.when(blk + 2 < NB)
        def _():
            fetch_idx(blk + 2, buf, isem)

    @pl.loop(0, NB // 2)
    def _(jj):
        do_block(2 * jj, buf_a, sem_ia, buf_b, sem_ib)
        do_block(2 * jj + 1, buf_b, sem_ib, buf_a, sem_ia)

    plsc.subcore_barrier()

    @pl.loop(0, pl.cdiv(N_ROWCHUNKS, NS))
    def _(i):
        k = i * NS + s

        @pl.when(k < N_ROWCHUNKS)
        def _():
            pltpu.async_copy(acc_sh.at[pl.ds(k * ROWCHUNK, ROWCHUNK)],
                             out_hbm.at[c, pl.ds(k * ROWCHUNK, ROWCHUNK)],
                             sem_z)

    @pl.loop(0, pl.cdiv(N_ROWCHUNKS, NS))
    def _(i):
        k = i * NS + s

        @pl.when(k < N_ROWCHUNKS)
        def _():
            pltpu.make_async_copy(
                acc_sh.at[pl.ds(k * ROWCHUNK, ROWCHUNK)],
                out_hbm.at[c, pl.ds(k * ROWCHUNK, ROWCHUNK)], sem_z).wait()


@jax.jit
def _segment_sums(x2flat, idx, zeros):
    mesh = plsc.VectorSubcoreMesh(core_axis_name="c", subcore_axis_name="s",
                                  num_cores=NC, num_subcores=NS)
    kern = pl.kernel(
        _seg_kernel,
        out_type=jax.ShapeDtypeStruct((NC, ACC_ROWS, HH), jnp.float32),
        mesh=mesh,
        scratch_types=[
            pltpu.VMEM((BPB, 2, CHUNK), jnp.int32),
            pltpu.VMEM((BPB, 2, CHUNK), jnp.int32),
            pltpu.VMEM((CHUNK, HH), jnp.float32),
            pltpu.VMEM((CHUNK, HH), jnp.float32),
            pltpu.VMEM_SHARED((ACC_ROWS, HH), jnp.float32),
            pltpu.SemaphoreType.DMA,
            pltpu.SemaphoreType.DMA,
            pltpu.SemaphoreType.DMA,
            pltpu.SemaphoreType.DMA,
            pltpu.SemaphoreType.DMA,
        ],
        compiler_params=pltpu.CompilerParams(use_tc_tiling_on_sc=False),
    )
    return kern(x2flat, idx, zeros)


NBH = NB // 2


def _count_kernel(idx_hbm, t_hbm, out_hbm, ibuf, cnt, t_vmem, sem):
    c = lax.axis_index("c")
    s = lax.axis_index("s")
    pltpu.async_copy(t_hbm, t_vmem, sem).wait()
    tcmp = t_vmem[...] + c * N

    @pl.loop(0, ACC_ROWS // 16)
    def _(i):
        cnt[pl.ds(i * 16, 16)] = jnp.zeros((16,), jnp.int32)

    ones = jnp.ones((16,), jnp.int32)

    @pl.loop(0, NBH)
    def _(j):
        pltpu.sync_copy(idx_hbm.at[c, s, c * NBH + j], ibuf)
        for u in range(BPB):
            @pl.loop(0, CHUNK // 16)
            def _(g):
                sv = ibuf[u, 0, pl.ds(g * 16, 16)]
                cv = ibuf[u, 1, pl.ds(g * 16, 16)]
                plsc.addupdate_scatter(cnt, [cv], ones, mask=sv == tcmp)

    pltpu.sync_copy(cnt, out_hbm.at[c, s])


@jax.jit
def _edge_counts(idx, tt):
    mesh = plsc.VectorSubcoreMesh(core_axis_name="c", subcore_axis_name="s",
                                  num_cores=NC, num_subcores=NS)
    kern = pl.kernel(
        _count_kernel,
        out_type=jax.ShapeDtypeStruct((NC, NS, ACC_ROWS), jnp.int32),
        mesh=mesh,
        scratch_types=[
            pltpu.VMEM((BPB, 2, CHUNK), jnp.int32),
            pltpu.VMEM((ACC_ROWS,), jnp.int32),
            pltpu.VMEM((16,), jnp.int32),
            pltpu.SemaphoreType.DMA,
        ],
        compiler_params=pltpu.CompilerParams(use_tc_tiling_on_sc=False,
                                             needs_layout_passes=False),
    )
    return kern(idx, tt)


def _dense_kernel(t_ref, x_ref, a0_ref, a1_ref, a2_ref, rel_ref, W_ref,
                  b_ref, lns_ref, lnb_ref, out_ref):
    j = pl.program_id(0)
    rel = rel_ref[...]

    agg_lo = (a0_ref[0] * rel[0, :HH] + a1_ref[0] * rel[1, :HH]
              + a2_ref[0] * rel[2, :HH])
    agg_hi = (a0_ref[1] * rel[0, HH:] + a1_ref[1] * rel[1, HH:]
              + a2_ref[1] * rel[2, HH:])

    t = t_ref[0]
    row = t - j * BN
    ids = lax.broadcasted_iota(jnp.int32, (BN, 1), 0)
    bmask = (ids == row).astype(jnp.float32)
    agg_lo = agg_lo + bmask
    agg_hi = agg_hi + bmask

    x_lo = x_ref[0]
    x_hi = x_ref[1]
    W = W_ref[...]

    dot = functools.partial(jax.lax.dot_general,
                            dimension_numbers=(((1,), (0,)), ((), ())),
                            preferred_element_type=jnp.float32)
    h = (dot(x_lo, W[0:HH]) + dot(x_hi, W[HH:H])
         + dot(agg_lo, W[H:H + HH]) + dot(agg_hi, W[H + HH:])
         + b_ref[...])

    mean = jnp.mean(h, axis=-1, keepdims=True)
    var = jnp.mean((h - mean) ** 2, axis=-1, keepdims=True)
    h = (h - mean) * lax.rsqrt(var + 1e-5) * lns_ref[...] + lnb_ref[...]
    h = jnp.maximum(h, 0.0)

    out_ref[0] = h[:, :HH] + x_lo
    out_ref[1] = h[:, HH:] + x_hi


@jax.jit
def _dense_layer(t, x2, acc, rel, W, b, lns, lnb):
    a0 = acc[:, 0:N]
    a1 = acc[:, STRIDE:STRIDE + N]
    a2 = acc[:, 2 * STRIDE:2 * STRIDE + N]
    rspec = pl.BlockSpec((NC, BN, HH), lambda j: (0, j, 0))
    return pl.pallas_call(
        _dense_kernel,
        grid=(GRID,),
        in_specs=[
            pl.BlockSpec(memory_space=pltpu.SMEM),
            rspec, rspec, rspec, rspec,
            pl.BlockSpec((R, H), lambda j: (0, 0)),
            pl.BlockSpec((2 * H, H), lambda j: (0, 0)),
            pl.BlockSpec((1, H), lambda j: (0, 0)),
            pl.BlockSpec((1, H), lambda j: (0, 0)),
            pl.BlockSpec((1, H), lambda j: (0, 0)),
        ],
        out_specs=pl.BlockSpec((NC, BN, HH), lambda j: (0, j, 0)),
        out_shape=jax.ShapeDtypeStruct((NC, N, HH), jnp.float32),
        compiler_params=pltpu.CompilerParams(
            allow_input_fusion=[False, False, True, True, True, False,
                                False, False, False, False]),
    )(t, x2, a0, a1, a2, rel, W, b[None], lns[None], lnb[None])


def kernel(edge_index, edge_type, target_token_ids, rel_emb, W, b,
           ln_scale, ln_bias):
    src = edge_index[0]
    dst = edge_index[1]
    t = target_token_ids[0]

    pad = EP - E
    src_p = jnp.concatenate([src, jnp.zeros((pad,), jnp.int32)])
    src2 = jnp.stack([src_p, src_p + N]).reshape(2, NS, NB, BPB, 1, CHUNK)
    cidx = jnp.concatenate([
        edge_type * STRIDE + dst,
        jnp.full((pad,), N, jnp.int32),
    ]).reshape(1, NS, NB, BPB, 1, CHUNK)
    idx = jnp.concatenate(
        [src2, jnp.broadcast_to(cidx, src2.shape)], axis=4)
    zeros = jnp.zeros((ROWCHUNK, HH), jnp.float32)

    x2 = jnp.zeros((NC, N, HH), jnp.float32).at[:, t, :].set(1.0)
    tt = t.reshape(1).astype(jnp.int32)

    for l in range(L):
        if l == 0:
            tt16 = jnp.full((16,), t, jnp.int32)
            cnts = _edge_counts(idx, tt16).sum(axis=(0, 1)).astype(jnp.float32)
            acc = jnp.broadcast_to(cnts[None, :, None], (NC, ACC_ROWS, HH))
        else:
            acc = _segment_sums(x2.reshape(NC * N, HH), idx, zeros)
        x2 = _dense_layer(tt, x2, acc, rel_emb[l], W[l], b[l],
                          ln_scale[l], ln_bias[l])

    return jnp.concatenate([x2[0], x2[1]], axis=-1)[None]

# --- scband reference (transcript-rebuilt; emitter-appended) ---
"""Pipeline reference for scband-token-rel-nbfnet-branch-24008867184811 (READ-ONLY COPY).

The authoritative reference and input builder live on the scoring server;
editing this copy changes nothing except your own understanding.
"""

import jax, jax.numpy as jnp
import numpy as np

N = 10000
E = 320000
H = 128
L = 4
R = 3


def setup_inputs(seed: int = 0) -> dict:
    key = jax.random.key(seed)
    ks = jax.random.split(key, 10)
    edge_index = jax.random.randint(ks[0], (2, E), 0, N, dtype=jnp.int32)
    edge_type = jax.random.randint(ks[1], (E,), 0, R, dtype=jnp.int32)
    target_token_ids = jax.random.randint(ks[2], (1,), 0, N, dtype=jnp.int32)
    # learned parameters per layer (GeneralizedRelationalConv, distmult/sum, layer_norm)
    rel_emb = jax.random.normal(ks[3], (L, R, H), dtype=jnp.float32) * 0.1
    W = jax.random.normal(ks[4], (L, 2 * H, H), dtype=jnp.float32) * (1.0 / np.sqrt(2 * H))
    b = jnp.zeros((L, H), dtype=jnp.float32)
    ln_scale = jnp.ones((L, H), dtype=jnp.float32)
    ln_bias = jnp.zeros((L, H), dtype=jnp.float32)
    return {
        "edge_index": edge_index,
        "edge_type": edge_type,
        "target_token_ids": target_token_ids,
        "rel_emb": rel_emb,
        "W": W,
        "b": b,
        "ln_scale": ln_scale,
        "ln_bias": ln_bias,
    }


def _layer_norm(x, scale, bias):
    mean = jnp.mean(x, axis=-1, keepdims=True)
    var = jnp.var(x, axis=-1, keepdims=True)
    return (x - mean) / jnp.sqrt(var + 1e-5) * scale + bias


def reference(edge_index, edge_type, target_token_ids, rel_emb, W, b, ln_scale, ln_bias):
    # Bellman-Ford style NBFNet on the token graph, batch_size=1, one query token.
    src = edge_index[0]
    dst = edge_index[1]
    query = jnp.ones((1, H), dtype=jnp.float32)
    boundary = jnp.zeros((1, N, H), dtype=jnp.float32).at[0, target_token_ids[0]].add(query[0])
    edge_weight = jnp.ones((E,), dtype=jnp.float32)
    x = boundary
    for l in range(L):
        # message: distmult -> hidden[src] * relation[edge_type]
        msg = x[0, src, :] * rel_emb[l][edge_type]
        msg = msg * edge_weight[:, None]
        # aggregate: sum over dst, plus boundary self-message
        agg = jax.ops.segment_sum(msg, dst, num_segments=N)[None, :, :] + boundary
        # combine: linear(cat([input, update])) -> layer_norm -> relu
        cat = jnp.concatenate([x, agg], axis=-1)
        hidden = cat @ W[l] + b[l]
        hidden = _layer_norm(hidden, ln_scale[l], ln_bias[l])
        hidden = jax.nn.relu(hidden)
        # short_cut residual
        hidden = hidden + x
        x = hidden
    # concat_hidden=False -> output is last hidden; output_proj is Identity (hidden_dim==output_dim)
    return x.reshape(1, N, H)

if __name__ == "__main__":
    import jax
    _d = setup_inputs()
    print(jax.jit(kernel)(*tuple(_d.values())))

</pallas_src>

<mosaic_0001>
#map = affine_map<(d0, d1) -> (0, 0, 0, 0, 0, 0)>
#map1 = affine_map<(d0, d1) -> (0)>
#map2 = affine_map<(d0, d1) -> (0, 0, 0)>
module attributes {stable_mosaic.version = 14 : i64} {
  func.func @_count_kernel(%arg0: i32, %arg1: i32, %arg2: memref<2x16x80x4x2x64xi32, #tpu.memory_space<hbm>>, %arg3: memref<16xi32, #tpu.memory_space<hbm>>, %arg4: memref<2x16x30240xi32, #tpu.memory_space<hbm>>, %arg5: memref<4x2x64xi32, #tpu.memory_space<vmem>>, %arg6: memref<30240xi32, #tpu.memory_space<vmem>>, %arg7: memref<16xi32, #tpu.memory_space<vmem>>, %arg8: memref<!tpu.dma_semaphore, #tpu.memory_space<semaphore_mem>>) attributes {dimension_semantics = [#tpu.dimension_semantics<core_parallel>, #tpu.dimension_semantics<subcore_parallel>], iteration_bounds = array<i64: 2, 16>, scalar_prefetch = 0 : i64, scratch_operands = 4 : i64, tpu.core_type = #tpu.core_type<sc_vector_subcore>, window_params = [{transform_indices = #map}, {transform_indices = #map1}, {transform_indices = #map2}]} {
    tpu.enqueue_dma source(%arg3 : memref<16xi32, #tpu.memory_space<hbm>>) target(%arg7 : memref<16xi32, #tpu.memory_space<vmem>>) target_semaphore(%arg8 : memref<!tpu.dma_semaphore, #tpu.memory_space<semaphore_mem>>)
    tpu.wait_dma2 semaphore(%arg8 : memref<!tpu.dma_semaphore, #tpu.memory_space<semaphore_mem>>) src(%arg3 : memref<16xi32, #tpu.memory_space<hbm>>) dst(%arg7 : memref<16xi32, #tpu.memory_space<vmem>>)
    %get3A = arith.constant 0 : index
    %get3A_0 = tpu.vector_load %arg7[%get3A] {strides = array<i32>} : memref<16xi32, #tpu.memory_space<vmem>>, vector<16xi32>,
    %mul3A = arith.constant 10000 : i32
    %mul3A_1 = arith.muli %arg0, %mul3A : i32
    %add3A = vector.broadcast %mul3A_1 : i32 to vector<16xi32>
    %add3A_2 = arith.addi %get3A_0, %add3A : vector<16xi32>
    %scan3A = arith.constant 0 : i32
    %scan3A_3 = arith.constant 1890 : i32
    %scan3A_4 = arith.addi %scan3A, %scan3A_3 : i32
    %scan3A_5 = arith.constant 1 : i32
    scf.for %scan3A_13 = %scan3A to %scan3A_4 step %scan3A_5  : i32 {
      %mul3A_14 = arith.constant 1 : i32
      %mul3A_15 = arith.muli %scan3A_13, %mul3A_14 : i32
      %add3A_16 = arith.constant 0 : i32
      %add3A_17 = arith.addi %add3A_16, %mul3A_15 : i32
      %broadcast_in_dim3A_18 = arith.constant 0 : i32
      %broadcast_in_dim3A_19 = vector.broadcast %broadcast_in_dim3A_18 : i32 to vector<16xi32>
      %mul3A_20 = arith.constant 16 : i32
      %mul3A_21 = arith.muli %add3A_17, %mul3A_20 : i32
      %swap3A = arith.index_cast %mul3A_21 : i32 to index
      %swap3A_22 = tpu.vector_load %arg6[%swap3A] {strides = array<i32>} : memref<30240xi32, #tpu.memory_space<vmem>>, vector<16xi32>,
      tpu.vector_store %arg6[%swap3A], %broadcast_in_dim3A_19 {strides = array<i32>} : memref<30240xi32, #tpu.memory_space<vmem>>, vector<16xi32>,
    }
    %scan3A_6 = arith.constant 1890 : i32
    %broadcast_in_dim3A = arith.constant 1 : i32
    %broadcast_in_dim3A_7 = vector.broadcast %broadcast_in_dim3A : i32 to vector<16xi32>
    %scan3A_8 = arith.constant 0 : i32
    %scan3A_9 = arith.constant 40 : i32
    %scan3A_10 = arith.addi %scan3A_8, %scan3A_9 : i32
    %scan3A_11 = arith.constant 1 : i32
    scf.for %scan3A_13 = %scan3A_8 to %scan3A_10 step %scan3A_11  : i32 {
      %mul3A_14 = arith.constant 1 : i32
      %mul3A_15 = arith.muli %scan3A_13, %mul3A_14 : i32
      %add3A_16 = arith.constant 0 : i32
      %add3A_17 = arith.addi %add3A_16, %mul3A_15 : i32
      %mul3A_18 = arith.constant 40 : i32
      %mul3A_19 = arith.muli %arg0, %mul3A_18 : i32
      %add3A_20 = arith.addi %mul3A_19, %add3A_17 : i32
      "tpu.region"() ({
        %run_scoped3A = tpu.sem_alloc : memref<!tpu.dma_semaphore, #tpu.memory_space<semaphore_mem>>
        %dma_start3A = arith.constant 0 : i32
        %dma_start3A_41 = arith.constant 0 : i32
        %dma_start3A_42 = arith.constant 0 : i32
        %dma_start3A_43 = tpu.memref_slice %arg2[%arg0, %arg1, %add3A_20, %dma_start3A, %dma_start3A_41, %dma_start3A_42] : memref<2x16x80x4x2x64xi32, #tpu.memory_space<hbm>> -> memref<1x1x1x4x2x64xi32, #tpu.memory_space<hbm>>
        %dma_start3A_44 = tpu.memref_squeeze %dma_start3A_43 : memref<1x1x1x4x2x64xi32, #tpu.memory_space<hbm>> -> memref<4x2x64xi32, #tpu.memory_space<hbm>>
        %dma_start3A_45 = arith.constant 0 : i32
        %dma_start3A_46 = arith.constant 0 : i32
        %dma_start3A_47 = arith.constant 0 : i32
        %dma_start3A_48 = tpu.memref_slice %arg2[%arg0, %arg1, %add3A_20, %dma_start3A_45, %dma_start3A_46, %dma_start3A_47] : memref<2x16x80x4x2x64xi32, #tpu.memory_space<hbm>> -> memref<1x1x1x4x2x64xi32, #tpu.memory_space<hbm>>
        %dma_start3A_49 = tpu.memref_squeeze %dma_start3A_48 : memref<1x1x1x4x2x64xi32, #tpu.memory_space<hbm>> -> memref<4x2x64xi32, #tpu.memory_space<hbm>>
        tpu.enqueue_dma source(%dma_start3A_49 : memref<4x2x64xi32, #tpu.memory_space<hbm>>) target(%arg5 : memref<4x2x64xi32, #tpu.memory_space<vmem>>) target_semaphore(%run_scoped3A : memref<!tpu.dma_semaphore, #tpu.memory_space<semaphore_mem>>)
        %dma_wait3A = arith.constant 0 : i32
        %dma_wait3A_50 = arith.constant 0 : i32
        %dma_wait3A_51 = arith.constant 0 : i32
        %dma_wait3A_52 = tpu.memref_slice %arg2[%arg0, %arg1, %add3A_20, %dma_wait3A, %dma_wait3A_50, %dma_wait3A_51] : memref<2x16x80x4x2x64xi32, #tpu.memory_space<hbm>> -> memref<1x1x1x4x2x64xi32, #tpu.memory_space<hbm>>
        %dma_wait3A_53 = tpu.memref_squeeze %dma_wait3A_52 : memref<1x1x1x4x2x64xi32, #tpu.memory_space<hbm>> -> memref<4x2x64xi32, #tpu.memory_space<hbm>>
        %dma_wait3A_54 = arith.constant 0 : i32
        %dma_wait3A_55 = arith.constant 0 : i32
        %dma_wait3A_56 = arith.constant 0 : i32
        %dma_wait3A_57 = tpu.memref_slice %arg2[%arg0, %arg1, %add3A_20, %dma_wait3A_54, %dma_wait3A_55, %dma_wait3A_56] : memref<2x16x80x4x2x64xi32, #tpu.memory_space<hbm>> -> memref<1x1x1x4x2x64xi32, #tpu.memory_space<hbm>>
        %dma_wait3A_58 = tpu.memref_squeeze %dma_wait3A_57 : memref<1x1x1x4x2x64xi32, #tpu.memory_space<hbm>> -> memref<4x2x64xi32, #tpu.memory_space<hbm>>
        tpu.wait_dma2 semaphore(%run_scoped3A : memref<!tpu.dma_semaphore, #tpu.memory_space<semaphore_mem>>) src(%dma_wait3A_58 : memref<4x2x64xi32, #tpu.memory_space<hbm>>) dst(%arg5 : memref<4x2x64xi32, #tpu.memory_space<vmem>>)
        tpu.yield
      }) : () -> ()
      %scan3A_21 = arith.constant 0 : i32
      %scan3A_22 = arith.constant 4 : i32
      %scan3A_23 = arith.addi %scan3A_21, %scan3A_22 : i32
      %scan3A_24 = arith.constant 1 : i32
      scf.for %scan3A_41 = %scan3A_21 to %scan3A_23 step %scan3A_24  : i32 {
        %mul3A_42 = arith.constant 1 : i32
        %mul3A_43 = arith.muli %scan3A_41, %mul3A_42 : i32
        %add3A_44 = arith.constant 0 : i32
        %add3A_45 = arith.addi %add3A_44, %mul3A_43 : i32
        %mul3A_46 = arith.constant 16 : i32
        %mul3A_47 = arith.muli %add3A_45, %mul3A_46 : i32
        %get3A_48 = arith.constant 0 : i32
        %get3A_49 = arith.constant 0 : i32
        %get3A_50 = arith.index_cast %get3A_48 : i32 to index
        %get3A_51 = arith.index_cast %get3A_49 : i32 to index
        %get3A_52 = arith.index_cast %mul3A_47 : i32 to index
        %get3A_53 = tpu.vector_load %arg5[%get3A_50, %get3A_51, %get3A_52] {strides = array<i32>} : memref<4x2x64xi32, #tpu.memory_space<vmem>>, vector<16xi32>,
        %mul3A_54 = arith.constant 16 : i32
        %mul3A_55 = arith.muli %add3A_45, %mul3A_54 : i32
        %get3A_56 = arith.constant 0 : i32
        %get3A_57 = arith.constant 1 : i32
        %get3A_58 = arith.index_cast %get3A_56 : i32 to index
        %get3A_59 = arith.index_cast %get3A_57 : i32 to index
        %get3A_60 = arith.index_cast %mul3A_55 : i32 to index
        %get3A_61 = tpu.vector_load %arg5[%get3A_58, %get3A_59, %get3A_60] {strides = array<i32>} : memref<4x2x64xi32, #tpu.memory_space<vmem>>, vector<16xi32>,
        %eq3A = arith.cmpi eq, %get3A_53, %add3A_2 : vector<16xi32>
        tpu.vector_store_idx %arg6[%get3A_61], %broadcast_in_dim3A_7 masked %eq3A {add = true} : memref<30240xi32, #tpu.memory_space<vmem>>[vector<16xi32>], vector<16xi32>, vector<16xi1>
      }
      %scan3A_25 = arith.constant 4 : i32
      %scan3A_26 = arith.constant 0 : i32
      %scan3A_27 = arith.constant 4 : i32
      %scan3A_28 = arith.addi %scan3A_26, %scan3A_27 : i32
      %scan3A_29 = arith.constant 1 : i32
      scf.for %scan3A_41 = %scan3A_26 to %scan3A_28 step %scan3A_29  : i32 {
        %mul3A_42 = arith.constant 1 : i32
        %mul3A_43 = arith.muli %scan3A_41, %mul3A_42 : i32
        %add3A_44 = arith.constant 0 : i32
        %add3A_45 = arith.addi %add3A_44, %mul3A_43 : i32
        %mul3A_46 = arith.constant 16 : i32
        %mul3A_47 = arith.muli %add3A_45, %mul3A_46 : i32
        %get3A_48 = arith.constant 1 : i32
        %get3A_49 = arith.constant 0 : i32
        %get3A_50 = arith.index_cast %get3A_48 : i32 to index
        %get3A_51 = arith.index_cast %get3A_49 : i32 to index
        %get3A_52 = arith.index_cast %mul3A_47 : i32 to index
        %get3A_53 = tpu.vector_load %arg5[%get3A_50, %get3A_51, %get3A_52] {strides = array<i32>} : memref<4x2x64xi32, #tpu.memory_space<vmem>>, vector<16xi32>,
        %mul3A_54 = arith.constant 16 : i32
        %mul3A_55 = arith.muli %add3A_45, %mul3A_54 : i32
        %get3A_56 = arith.constant 1 : i32
        %get3A_57 = arith.constant 1 : i32
        %get3A_58 = arith.index_cast %get3A_56 : i32 to index
        %get3A_59 = arith.index_cast %get3A_57 : i32 to index
        %get3A_60 = arith.index_cast %mul3A_55 : i32 to index
        %get3A_61 = tpu.vector_load %arg5[%get3A_58, %get3A_59, %get3A_60] {strides = array<i32>} : memref<4x2x64xi32, #tpu.memory_space<vmem>>, vector<16xi32>,
        %eq3A = arith.cmpi eq, %get3A_53, %add3A_2 : vector<16xi32>
        tpu.vector_store_idx %arg6[%get3A_61], %broadcast_in_dim3A_7 masked %eq3A {add = true} : memref<30240xi32, #tpu.memory_space<vmem>>[vector<16xi32>], vector<16xi32>, vector<16xi1>
      }
      %scan3A_30 = arith.constant 4 : i32
      %scan3A_31 = arith.constant 0 : i32
      %scan3A_32 = arith.constant 4 : i32
      %scan3A_33 = arith.addi %scan3A_31, %scan3A_32 : i32
      %scan3A_34 = arith.constant 1 : i32
      scf.for %scan3A_41 = %scan3A_31 to %scan3A_33 step %scan3A_34  : i32 {
        %mul3A_42 = arith.constant 1 : i32
        %mul3A_43 = arith.muli %scan3A_41, %mul3A_42 : i32
        %add3A_44 = arith.constant 0 : i32
        %add3A_45 = arith.addi %add3A_44, %mul3A_43 : i32
        %mul3A_46 = arith.constant 16 : i32
        %mul3A_47 = arith.muli %add3A_45, %mul3A_46 : i32
        %get3A_48 = arith.constant 2 : i32
        %get3A_49 = arith.constant 0 : i32
        %get3A_50 = arith.index_cast %get3A_48 : i32 to index
        %get3A_51 = arith.index_cast %get3A_49 : i32 to index
        %get3A_52 = arith.index_cast %mul3A_47 : i32 to index
        %get3A_53 = tpu.vector_load %arg5[%get3A_50, %get3A_51, %get3A_52] {strides = array<i32>} : memref<4x2x64xi32, #tpu.memory_space<vmem>>, vector<16xi32>,
        %mul3A_54 = arith.constant 16 : i32
        %mul3A_55 = arith.muli %add3A_45, %mul3A_54 : i32
        %get3A_56 = arith.constant 2 : i32
        %get3A_57 = arith.constant 1 : i32
        %get3A_58 = arith.index_cast %get3A_56 : i32 to index
        %get3A_59 = arith.index_cast %get3A_57 : i32 to index
        %get3A_60 = arith.index_cast %mul3A_55 : i32 to index
        %get3A_61 = tpu.vector_load %arg5[%get3A_58, %get3A_59, %get3A_60] {strides = array<i32>} : memref<4x2x64xi32, #tpu.memory_space<vmem>>, vector<16xi32>,
        %eq3A = arith.cmpi eq, %get3A_53, %add3A_2 : vector<16xi32>
        tpu.vector_store_idx %arg6[%get3A_61], %broadcast_in_dim3A_7 masked %eq3A {add = true} : memref<30240xi32, #tpu.memory_space<vmem>>[vector<16xi32>], vector<16xi32>, vector<16xi1>
      }
      %scan3A_35 = arith.constant 4 : i32
      %scan3A_36 = arith.constant 0 : i32
      %scan3A_37 = arith.constant 4 : i32
      %scan3A_38 = arith.addi %scan3A_36, %scan3A_37 : i32
      %scan3A_39 = arith.constant 1 : i32
      scf.for %scan3A_41 = %scan3A_36 to %scan3A_38 step %scan3A_39  : i32 {
        %mul3A_42 = arith.constant 1 : i32
        %mul3A_43 = arith.muli %scan3A_41, %mul3A_42 : i32
        %add3A_44 = arith.constant 0 : i32
        %add3A_45 = arith.addi %add3A_44, %mul3A_43 : i32
        %mul3A_46 = arith.constant 16 : i32
        %mul3A_47 = arith.muli %add3A_45, %mul3A_46 : i32
        %get3A_48 = arith.constant 3 : i32
        %get3A_49 = arith.constant 0 : i32
        %get3A_50 = arith.index_cast %get3A_48 : i32 to index
        %get3A_51 = arith.index_cast %get3A_49 : i32 to index
        %get3A_52 = arith.index_cast %mul3A_47 : i32 to index
        %get3A_53 = tpu.vector_load %arg5[%get3A_50, %get3A_51, %get3A_52] {strides = array<i32>} : memref<4x2x64xi32, #tpu.memory_space<vmem>>, vector<16xi32>,
        %mul3A_54 = arith.constant 16 : i32
        %mul3A_55 = arith.muli %add3A_45, %mul3A_54 : i32
        %get3A_56 = arith.constant 3 : i32
        %get3A_57 = arith.constant 1 : i32
        %get3A_58 = arith.index_cast %get3A_56 : i32 to index
        %get3A_59 = arith.index_cast %get3A_57 : i32 to index
        %get3A_60 = arith.index_cast %mul3A_55 : i32 to index
        %get3A_61 = tpu.vector_load %arg5[%get3A_58, %get3A_59, %get3A_60] {strides = array<i32>} : memref<4x2x64xi32, #tpu.memory_space<vmem>>, vector<16xi32>,
        %eq3A = arith.cmpi eq, %get3A_53, %add3A_2 : vector<16xi32>
        tpu.vector_store_idx %arg6[%get3A_61], %broadcast_in_dim3A_7 masked %eq3A {add = true} : memref<30240xi32, #tpu.memory_space<vmem>>[vector<16xi32>], vector<16xi32>, vector<16xi1>
      }
      %scan3A_40 = arith.constant 4 : i32
    }
    %scan3A_12 = arith.constant 40 : i32
    "tpu.region"() ({
      %run_scoped3A = tpu.sem_alloc : memref<!tpu.dma_semaphore, #tpu.memory_space<semaphore_mem>>
      %dma_start3A = arith.constant 0 : i32
      %dma_start3A_13 = tpu.memref_slice %arg4[%arg0, %arg1, %dma_start3A] : memref<2x16x30240xi32, #tpu.memory_space<hbm>> -> memref<1x1x30240xi32, #tpu.memory_space<hbm>>
      %dma_start3A_14 = tpu.memref_squeeze %dma_start3A_13 : memref<1x1x30240xi32, #tpu.memory_space<hbm>> -> memref<30240xi32, #tpu.memory_space<hbm>>
      %dma_start3A_15 = arith.constant 0 : i32
      %dma_start3A_16 = tpu.memref_slice %arg4[%arg0, %arg1, %dma_start3A_15] : memref<2x16x30240xi32, #tpu.memory_space<hbm>> -> memref<1x1x30240xi32, #tpu.memory_space<hbm>>
      %dma_start3A_17 = tpu.memref_squeeze %dma_start3A_16 : memref<1x1x30240xi32, #tpu.memory_space<hbm>> -> memref<30240xi32, #tpu.memory_space<hbm>>
      tpu.enqueue_dma source(%arg6 : memref<30240xi32, #tpu.memory_space<vmem>>) target(%dma_start3A_17 : memref<30240xi32, #tpu.memory_space<hbm>>) target_semaphore(%run_scoped3A : memref<!tpu.dma_semaphore, #tpu.memory_space<semaphore_mem>>)
      %dma_wait3A = arith.constant 0 : i32
      %dma_wait3A_18 = tpu.memref_slice %arg4[%arg0, %arg1, %dma_wait3A] : memref<2x16x30240xi32, #tpu.memory_space<hbm>> -> memref<1x1x30240xi32, #tpu.memory_space<hbm>>
      %dma_wait3A_19 = tpu.memref_squeeze %dma_wait3A_18 : memref<1x1x30240xi32, #tpu.memory_space<hbm>> -> memref<30240xi32, #tpu.memory_space<hbm>>
      %dma_wait3A_20 = arith.constant 0 : i32
      %dma_wait3A_21 = tpu.memref_slice %arg4[%arg0, %arg1, %dma_wait3A_20] : memref<2x16x30240xi32, #tpu.memory_space<hbm>> -> memref<1x1x30240xi32, #tpu.memory_space<hbm>>
      %dma_wait3A_22 = tpu.memref_squeeze %dma_wait3A_21 : memref<1x1x30240xi32, #tpu.memory_space<hbm>> -> memref<30240xi32, #tpu.memory_space<hbm>>
      tpu.wait_dma2 semaphore(%run_scoped3A : memref<!tpu.dma_semaphore, #tpu.memory_space<semaphore_mem>>) src(%arg6 : memref<30240xi32, #tpu.memory_space<vmem>>) dst(%dma_wait3A_22 : memref<30240xi32, #tpu.memory_space<hbm>>)
      tpu.yield
    }) : () -> ()
    return
  }
}

</mosaic_0001>

<sc_bundles>
// kernel: _edge_counts.3.cloned.1.call-start
scs
__scs_entry_jumppad:
0x0: {  	(pc) =	sbr.rel $0x88, $3  }
0x1: {  	(tag) =	ssettag $0x0;
	lr =	simm.s32 $0x1  }
0x2: {  	[smem:$0x3F9F] =	sst lr;
	_ =	strace $0xD0000000  }
0x3: {  	_ = 	snop  }
0x4: {  	_ = 	snop  }
0x5: {  	_ = 	snop  }
0x6: {  	_ = 	snop  }
0x7: {  	_ = 	snop  }
__scs_overlays_trampoline_lowered:
0x8: {  	[smem:$0x3FAE] =	sst s0  }
0x9: {  	[smem:$0x3FAF] =	sst s1  }
0xa: {  	[smem:$0x3FB0] =	sst s2  }
0xb: {  	[smem:$0x3FB1] =	sst s3  }
0xc: {  	[smem:$0x3FB2] =	sst s4  }
0xd: {  	[smem:$0x3FB3] =	sst s5  }
0xe: {  	[smem:$0x3FB4] =	sst s6  }
0xf: {  	[smem:$0x3FB5] =	sst s7  }
0x10: {  	[smem:$0x3FB6] =	sst s8  }
0x11: {  	[smem:$0x3FB7] =	sst s9;
	s0 =	simm.s32 @!p0 $0x0  }
0x12: {  	s1 =	sld [smem:$0x3F9D];
	s0 =	simm.s32 @p0 $0x1  }
0x13: {  	[smem:$0x3FB8] =	sst s0;
	s0 =	simm.s32 @!p1 $0x0  }
0x14: {  	s2 =	sld [smem:$0x3F9C];
	s0 =	simm.s32 @p1 $0x1  }
0x15: {  	[smem:$0x3FB9] =	sst s0;
	s0 =	simm.s32 @!p2 $0x0  }
0x16: {  	s3 =	sld [smem:$0x3FDB];
	s0 =	simm.s32 @p2 $0x1  }
0x17: {  	s4 =	simm.s32 $0x1BF5;
	[smem:$0x3FBB] =	sst s0  }
0x18: {  	s0 =	sld [smem:$0x3F9E];
	_ =	swait.ge [sflag:s4], $0x0  }
0x19: {  	s7 =	sld [smem:$0x3F9F]  }
0x1a: {  	s8 =	sadd.s32 $0xFFFFE003, lr  }
0x1b: {  	s9 =	sadd.s32 $0xFFFFFEF7, lr;
	s5 =	simm.s32 $0xFFFFFFFF;
	p2 =	slt.u32 s8, $0xFFFFF086  }
0x1c: {  	p1 =	slt.u32 s9, $0xF7A;
	s5 =	simm.s32 @!p2 $0x0  }
0x1d: {  	s5 =	simm.s32 @p1 $0x1;
	p0 =	seq.s32 s7, s2  }
0x1e: {  	s7 =	smul.u32 @!p0 $0xF7A, s2;
	p2 =	seq.s32 @!p0 s5, $0x0  }
0x1f: {  	s9 =	smul.u32 $0xF7A, s1;
	s8 =	simm.s32 @!p0 $0x1BF5;
	p2 =	por !p2, p0  }
0x20: {  	[sflag:s8] =	ssyncset.s32 @!p0 $0xFFFFF086;
	s6 =	sadd.s32 @!p0 s3, s7;
	s7 =	simm.s32 @!p0 $0x108  }
0x21: {  	s3 =	sadd.s32 s3, s9;
	s6 =	sadd.s32 @!p0 $0x88, s6;
	s7 =	simm.s32 @p2 $0x1082  }
0x22: {  	[simem:s7], [sflag:s8] =	dma.local @!p0 [hbm:s6], $0xF7A  }
0x23: {  	s9 =	sor.u32 $0xD0000000, s2;
	s6 =	simm.s32 $0x108;
	_ =	swait.ge @!p0 [sflag:s8], $0x0  }
0x24: {  	s3 =	sadd.s32 $0x88, s3;
	s6 =	simm.s32 @!p1 $0x1082;
	[sflag:s4] =	ssyncset.s32 $0xFFFFF086  }
0x25: {  	[simem:s6], [sflag:s4] =	dma.local [hbm:s3], $0xF7A  }
0x26: {  	[smem:$0x3F9F] =	sst s1;
	(tag) =	ssettag s2;
	_ =	strace s9  }
0x27: {  	s1 =	sld [smem:$0x3FAF]  }
0x28: {  	s2 =	sld [smem:$0x3FB0]  }
0x29: {  	s4 =	sld [smem:$0x3FB2]  }
0x2a: {  	p0 =	seq.s32 s5, $0x0;
	s5 =	sld [smem:$0x3FB3]  }
0x2b: {  	s6 =	sld [smem:$0x3FB4]  }
0x2c: {  	s7 =	sld [smem:$0x3FB5]  }
0x2d: {  	s3 =	simm.s32 $0x108;
	s8 =	sld [smem:$0x3FB6]  }
0x2e: {  	s3 =	simm.s32 @!p0 $0x1082;
	s9 =	sld [smem:$0x3FB7]  }
0x2f: {  	lr =	sadd.s32 s0, s3;
	s0 =	sld [smem:$0x3FAE]  }
0x30: {  	s3 =	sld [smem:$0x3FB1]  }
0x31: {  	[smem:$0x3FBA] =	sst s10  }
0x32: {  	s10 =	sld [smem:$0x3FB8];
	_ =	sdelay $0x3  }
0x33: {  	p0 =	seq.s32 s10, $0x1;
	s10 =	sld [smem:$0x3FBA];
	_ =	sdelay $0x3  }
0x34: {  	[smem:$0x3FBA] =	sst s10  }
0x35: {  	s10 =	sld [smem:$0x3FB9];
	_ =	sdelay $0x3  }
0x36: {  	p1 =	seq.s32 s10, $0x1;
	s10 =	sld [smem:$0x3FBA];
	_ =	sdelay $0x3  }
0x37: {  	[smem:$0x3FBA] =	sst s10  }
0x38: {  	s10 =	sld [smem:$0x3FBB]  }
0x39: {  	_ = 	snop;
	(pc) =	sbr.ind lr, $3  }
0x3a: {  	_ = 	snop  }
0x3b: {  	_ = 	snop  }
0x3c: {  	p2 =	seq.s32 s10, $0x1;
	s10 =	sld [smem:$0x3FBA]  }
0x3d: {  	_ =	shalt  }
0x3e: {  	_ =	shalt  }
0x3f: {  	_ =	shalt  }
0x40: {  	_ =	shalt  }
0x41: {  	_ =	shalt  }
0x42: {  	_ =	shalt  }
0x43: {  	_ =	shalt  }
0x44: {  	_ =	shalt  }
0x45: {  	_ =	shalt  }
0x46: {  	_ =	shalt  }
0x47: {  	_ =	shalt  }
0x48: {  	_ =	shalt  }
0x49: {  	_ =	shalt  }
0x4a: {  	_ =	shalt  }
0x4b: {  	_ =	shalt  }
0x4c: {  	_ =	shalt  }
0x4d: {  	_ =	shalt  }
0x4e: {  	_ =	shalt  }
0x4f: {  	_ =	shalt  }
0x50: {  	_ =	shalt  }
0x51: {  	_ =	shalt  }
0x52: {  	_ =	shalt  }
0x53: {  	_ =	shalt  }
0x54: {  	_ =	shalt  }
0x55: {  	_ =	shalt  }
0x56: {  	_ =	shalt  }
0x57: {  	_ =	shalt  }
0x58: {  	_ =	shalt  }
0x59: {  	_ =	shalt  }
0x5a: {  	_ =	shalt  }
0x5b: {  	_ =	shalt  }
0x5c: {  	_ =	shalt  }
0x5d: {  	_ =	shalt  }
0x5e: {  	_ =	shalt  }
0x5f: {  	_ =	shalt  }
0x60: {  	_ =	shalt  }
0x61: {  	_ =	shalt  }
0x62: {  	_ =	shalt  }
0x63: {  	_ =	shalt  }
0x64: {  	_ =	shalt  }
0x65: {  	_ =	shalt  }
0x66: {  	_ =	shalt  }
0x67: {  	_ =	shalt  }
0x68: {  	_ =	shalt  }
0x69: {  	_ =	shalt  }
0x6a: {  	_ =	shalt  }
0x6b: {  	_ =	shalt  }
0x6c: {  	_ =	shalt  }
0x6d: {  	_ =	shalt  }
0x6e: {  	_ =	shalt  }
0x6f: {  	_ =	shalt  }
0x70: {  	_ =	shalt  }
0x71: {  	_ =	shalt  }
0x72: {  	_ =	shalt  }
0x73: {  	_ =	shalt  }
0x74: {  	_ =	shalt  }
0x75: {  	_ =	shalt  }
0x76: {  	_ =	shalt  }
0x77: {  	_ =	shalt  }
0x78: {  	_ =	shalt  }
0x79: {  	_ =	shalt  }
0x7a: {  	_ =	shalt  }
0x7b: {  	_ =	shalt  }
0x7c: {  	_ =	shalt  }
0x7d: {  	_ =	shalt  }
0x7e: {  	_ =	shalt  }
0x7f: {  	_ =	shalt  }
0x80: {  	_ =	shalt  }
0x81: {  	_ =	shalt  }
0x82: {  	_ =	shalt  }
0x83: {  	_ =	shalt  }
0x84: {  	_ =	shalt  }
0x85: {  	_ =	shalt  }
0x86: {  	_ =	shalt  }
0x87: {  	_ =	shalt  }
.Lfunc_end0:
.L_simem_size_0:
called_computation_lowered:
.L_overlay_start_0:
0x88: {  	s2 =	sld [smem:$0x3FD9]  }
0x89: {  	s3 =	sld [smem:$0x3FFE];
	_ =	sdelay $0x1  }
0x8a: {  	s1 =	srdreg.scid  }
0x8b: {  	s0 =	sand.u32 $0x1, s1  }
0x8c: {  	s17 =	sshll.u32 s0, $0xA;
	s2 =	sadd.s32 s3, s2  }
0x8d: {  	s2 =	sadd.s32 s2, s17  }
0x8e: {  	[smem:$0x3FC6] =	sst s2  }
0x8f: {  	_ = 	snop  }
0x90: {  	s2 =	sld [smem:$0x3FC8];
	(tm) =	ssettm $0x1  }
0x91: {  	s18 =	sld [smem:$0x3FFB];
	_ =	sdelay $0x3  }
0x92: {  	_ =	strace s18  }
0x93: {  	s3 =	sld [smem:$0x3FFC];
	_ =	sdelay $0x3  }
0x94: {  	_ =	strace s3  }
0x95: {  	s3 =	sld [smem:$0x3FFD];
	_ =	sdelay $0x3  }
0x96: {  	_ =	strace s3  }
0x97: {  	_ =	strace $0x8FFFFFFF  }
0x98: {  	s19 =	sld [smem:$0x3FDB];
	_ =	sdelay $0x1  }
0x99: {  	s4 =	simm.s32 $_scs_section_size  }
0x9a: {  	s5 =	simm.s32 $_size__tile_overlayer_lowered;
	s6 =	simm.s32 $_tile_overlayer_lowered  }
0x9b: {  	s22 =	simm.s32 $0x1BFF;
	s21 =	sshll.u32 s6, $0x1;
	s3 =	sadd.s32 s4, s19  }
0x9c: {  	s7 =	simm.s32 $0x0;
	s20 =	sshll.u32 s5, $0x1;
	s5 =	sadd.s32 s21, s3  }
0x9d: {  	[timem:s7], [sflag:s22] =	dma.local [hbm:s5], s20  }
0x9e: {  	_ =	swait.ge [sflag:s22], s20  }
0x9f: {  	s4 =	ssub.s32 $0x0, s20;
	[sflag:s22] =	ssyncset.done $0x0  }
0xa0: {  	[sflag:s22] =	ssyncadd.s32 s4;
	_ =	sdelay $0x1  }
0xa1: {  	s23 =	simm.s32 $0x1B8B  }
0xa2: {  	_ =	swait.ge [sflag:s23], $0x1  }
0xa3: {  	[sflag:s23] =	ssyncset.done $0x0  }
0xa4: {  	s25 =	simm.s32 $0x1B8E;
	s24 =	sld [smem:$0x3FFE];
	[sflag:s23] =	ssyncadd.s32 $0xFFFFFFFF  }
0xa5: {  	s26 =	simm.s32 $execute0_lowered;
	[smem:$0x3FD2] =	sst s25  }
0xa6: {  	s5 =	sshll.u32 s26, $0x1;
	_ =	strace $0x80000046;
	[dreg:$0x1] =	wrdreg $0xFFFFFFFF  }
0xa7: {  	s28 =	simm.s32 $_size_execute0_lowered;
	s3 =	sadd.s32 s3, s5;
	[dreg:$0x0] =	wrdreg $0x0  }
0xa8: {  	s5 =	sshll.u32 s28, $0x1;
	[dreg:$0x2] =	wrdreg s3  }
0xa9: {  	[dreg:$0x3] =	wrdreg s5  }
0xaa: {  	[dreg:$0x4] =	wrdreg $0xC0  }
0xab: {  	_ =	task [dreg:s7], $0x5FFFF  }
0xac: {  	[dreg:$0x1] =	wrdreg $0xFFFFFFFF  }
0xad: {  	[dreg:$0x0] =	wrdreg $0x60  }
0xae: {  	[dreg:$0x2] =	wrdreg s24  }
0xaf: {  	[dreg:$0x3] =	wrdreg s2  }
0xb0: {  	[dreg:$0x4] =	wrdreg $0x9  }
0xb1: {  	_ =	task.clear_ibuf [dreg:s7], $0x5FFFF;
	_ =	strace $0x90000046  }
0xb2: {  	s29 =	simm.s32 $0x9;
	_ =	strace $0x80000048  }
0xb3: {  	_ =	swait.ge [sflag:s29], $0x1  }
0xb4: {  	[sflag:s29] =	ssyncadd.s32 $0xFFFFFFFF  }
0xb5: {  	_ =	strace $0x90000048  }
0xb6: {  	_ =	sfence  }
0xb7: {  	s30 =	sld [smem:$0x0];
	_ =	sdelay $0x2  }
0xb8: {  	s31 =	sshll.u32 s1, $0xD;
	s1 =	sshrl.u32 s1, $0x2  }
0xb9: {  	s3 =	sand.u32 $0x4000, s31;
	s1 =	sadd.s32 s1, s30  }
0xba: {  	s0 =	sor.u32 s3, s0;
	s1 =	sshll.u32 s1, $0x11  }
0xbb: {  	s0 =	sor.u32 s1, s0  }
0xbc: {  	s0 =	sadd.s32 $0x8F2B, s0  }
0xbd: {  	[sflag:s0] =	ssyncadd.remote.s32 $0x1  }
0xbe: {  	_ =	sfence.sel $0xFFFF  }
0xbf: {  	[dreg:$0x0] =	wrdreg $0xFFFFFFFF;
	(pc) =	sbr.abs _section_cstart, $3  }
0xc0: {  	[dreg:$0x1] =	wrdreg $0xFFFFFFFF  }
0xc1: {  	_ =	task.clear_ibuf [dreg:s7], $0x2FFFF;
	_ =	strace $0x9FFFFFFF  }
0xc2: {  	(tm) =	ssettm $0x7FFFFFFF  }
0xc3: {  	_ =	shalt  }
tec
execute0_lowered:
.L_overlay_start_1:
0x0: {  	(tag) =	ssettag $0x1  }
0x1: {  	s1 =	srdreg.scid;
	s4 =	rddreg [dreg:$0x0]  }
0x2: {  	s0 =	stileid.u32;
	s2 =	rddreg [dreg:$0x1]  }
0x3: {  	s3 =	simm.s32 $0x0;
	s10 =	simm.s32 $0x200;
	s6 =	smul.u32 $0xA000, s0  }
0x4: {  	s5 =	sand.u32 $0x1, s1;
	s1 =	rddreg [dreg:$0x2];
	s9 =	smul.u32 $0x7620, s0  }
0x5: {  	s11 =	simm.s32 $0x0;
	[smem:$0x7FF] =	sst s3;
	s7 =	smul.u32 $0xA5000, s5  }
0x6: {  	s8 =	smul.u32 $0x76200, s5;
	_ =	strace $0x80000047;
	s28 =	ssub.s32 $0x2, s5  }
0x7: {  	s31 =	smul.u32 $0x2710, s5;
	s29 =	sshrl.u32 s28, $0x1;
	s6 =	sadd.s32 s6, s7  }
0x8: {  	s26 =	sadd.s32 s9, s8;
	s30 =	ssub.s32 s28, s29;
	s8 =	simm.s32 $0x1  }
0x9: {  	s9 =	simm.s32 $0x2;
	s6 =	sshrl.u32 s6, $0x3;
	s7 =	sshrl.u32 s26, $0x3  }
0xa: {  	s5 =	smax.u32 s30, $0x1;
	s6 =	sadd.s32 s6, s4;
	s4 =	sadd.s32 s7, s4  }
0xb: {  	v1 =	vimm.s32 $0x0;
	v2 =	vimm.s32 $0x1;
	v0 =	vmov s31;
	s7 =	simm.s32 $0x7820;
	s4 =	sadd.s32 $0x28400, s4;
	s6 =	sadd.s32 $0x400, s6  }
.LBB2_1:
0xc: {  	[tilespmem:s7], [sflag:$0x1] =	stream.linear.gather [hbm4b:s2+s3], $0x10, $0x38;
	[tilespmem:$0x7830] =	vst v63  }
0xd: {  	_ =	swait.ge [sflag:s8], $0x10  }
0xe: {  	[sflag:s8] =	ssyncset.done $0x0  }
0xf: {  	[sflag:s8] =	ssyncadd.s32 $0xFFFFFFF0  }
0x10: {  	s12 =	simm.s32 $0x40;
	s13 =	simm.s32 $0x0;
	v3 =	vld [tilespmem:$0x7820]  }
.LBB2_2:
0x11: {  	p0 =	seq.s32 s12, $0x1D840;
	[tilespmem:s13+$0x200] =	vst v1;
	s13 =	smov.u32 s12;
	s12 =	sadd.s32 $0x40, s12  }
.Ltmp0:
0x12: {  	(pc) =	sbr.rel @!p0 .LBB2_2-.Ltmp0, $2  }
0x13: {  	_ =	sdelay $0x2  }
0x14: {  	s13 =	sshra.s32 s13, $0x2  }
0x15: {  	[tilespmem:s13+$0x200] =	vst v1;
	v3 =	vadd.s32 v0, v3;
	s12 =	simm.s32 $0x0  }
.LBB2_4:
0x16: {  	s13 =	sadd.s32 s12, s6  }
0x17: {  	[tilespmem:s3], [sflag:$0x2] =	stream.linear.gather [hbm4b:s13+s3], $0x200, $0x38;
	[tilespmem:$0x7830] =	vst v63  }
0x18: {  	_ =	swait.ge [sflag:s9], $0x200  }
0x19: {  	[sflag:s9] =	ssyncset.done $0x0  }
0x1a: {  	[sflag:s9] =	ssyncadd.s32 $0xFFFFFE00  }
0x1b: {  	v4 =	vld [tilespmem:$0x0];
	_ =	sdelay $0x2  }
0x1c: {  	v5 =	vld [tilespmem:$0x40];
	_ =	sdelay $0x1  }
0x1d: {  	vm0 =	veq.s32 v4, v3;
	_ =	sdelay $0x5  }
0x1e: {  	[tilespmem:v5+s10+$0x0] =	vst.idx.add.s32.msk vm0, v2  }
0x1f: {  	v4 =	vld [tilespmem:$0x10];
	_ =	sdelay $0x2  }
0x20: {  	v5 =	vld [tilespmem:$0x50];
	_ =	sdelay $0x1  }
0x21: {  	vm13 =	veq.s32 v4, v3;
	_ =	sdelay $0x5  }
0x22: {  	[tilespmem:v5+s10+$0x0] =	vst.idx.add.s32.msk vm13, v2  }
0x23: {  	v4 =	vld [tilespmem:$0x20];
	_ =	sdelay $0x2  }
0x24: {  	v5 =	vld [tilespmem:$0x60];
	_ =	sdelay $0x1  }
0x25: {  	vm14 =	veq.s32 v4, v3;
	_ =	sdelay $0x5  }
0x26: {  	[tilespmem:v5+s10+$0x0] =	vst.idx.add.s32.msk vm14, v2  }
0x27: {  	v4 =	vld [tilespmem:$0x30];
	_ =	sdelay $0x2  }
0x28: {  	v5 =	vld [tilespmem:$0x70];
	_ =	sdelay $0x1  }
0x29: {  	vm15 =	veq.s32 v4, v3;
	_ =	sdelay $0x5  }
0x2a: {  	[tilespmem:v5+s10+$0x0] =	vst.idx.add.s32.msk vm15, v2  }
0x2b: {  	v4 =	vld [tilespmem:$0x80];
	_ =	sdelay $0x2  }
0x2c: {  	v5 =	vld [tilespmem:$0xC0];
	_ =	sdelay $0x1  }
0x2d: {  	vm4 =	veq.s32 v4, v3;
	_ =	sdelay $0x5  }
0x2e: {  	[tilespmem:v5+s10+$0x0] =	vst.idx.add.s32.msk vm4, v2  }
0x2f: {  	v4 =	vld [tilespmem:$0x90];
	_ =	sdelay $0x2  }
0x30: {  	v5 =	vld [tilespmem:$0xD0];
	_ =	sdelay $0x1  }
0x31: {  	vm5 =	veq.s32 v4, v3;
	_ =	sdelay $0x5  }
0x32: {  	[tilespmem:v5+s10+$0x0] =	vst.idx.add.s32.msk vm5, v2  }
0x33: {  	v4 =	vld [tilespmem:$0xA0];
	_ =	sdelay $0x2  }
0x34: {  	v5 =	vld [tilespmem:$0xE0];
	_ =	sdelay $0x1  }
0x35: {  	vm6 =	veq.s32 v4, v3;
	_ =	sdelay $0x5  }
0x36: {  	[tilespmem:v5+s10+$0x0] =	vst.idx.add.s32.msk vm6, v2  }
0x37: {  	v4 =	vld [tilespmem:$0xB0];
	_ =	sdelay $0x2  }
0x38: {  	v5 =	vld [tilespmem:$0xF0];
	_ =	sdelay $0x1  }
0x39: {  	vm7 =	veq.s32 v4, v3;
	_ =	sdelay $0x5  }
0x3a: {  	[tilespmem:v5+s10+$0x0] =	vst.idx.add.s32.msk vm7, v2  }
0x3b: {  	v4 =	vld [tilespmem:$0x100];
	_ =	sdelay $0x2  }
0x3c: {  	v5 =	vld [tilespmem:$0x140];
	_ =	sdelay $0x1  }
0x3d: {  	vm8 =	veq.s32 v4, v3;
	_ =	sdelay $0x5  }
0x3e: {  	[tilespmem:v5+s10+$0x0] =	vst.idx.add.s32.msk vm8, v2  }
0x3f: {  	v4 =	vld [tilespmem:$0x110];
	_ =	sdelay $0x2  }
0x40: {  	v5 =	vld [tilespmem:$0x150];
	_ =	sdelay $0x1  }
0x41: {  	vm9 =	veq.s32 v4, v3;
	_ =	sdelay $0x5  }
0x42: {  	[tilespmem:v5+s10+$0x0] =	vst.idx.add.s32.msk vm9, v2  }
0x43: {  	v4 =	vld [tilespmem:$0x120];
	_ =	sdelay $0x2  }
0x44: {  	v5 =	vld [tilespmem:$0x160];
	_ =	sdelay $0x1  }
0x45: {  	vm10 =	veq.s32 v4, v3;
	_ =	sdelay $0x5  }
0x46: {  	[tilespmem:v5+s10+$0x0] =	vst.idx.add.s32.msk vm10, v2  }
0x47: {  	v4 =	vld [tilespmem:$0x130];
	_ =	sdelay $0x2  }
0x48: {  	v5 =	vld [tilespmem:$0x170];
	_ =	sdelay $0x1  }
0x49: {  	vm11 =	veq.s32 v4, v3;
	_ =	sdelay $0x5  }
0x4a: {  	[tilespmem:v5+s10+$0x0] =	vst.idx.add.s32.msk vm11, v2  }
0x4b: {  	v4 =	vld [tilespmem:$0x180];
	_ =	sdelay $0x2  }
0x4c: {  	v5 =	vld [tilespmem:$0x1C0];
	_ =	sdelay $0x1  }
0x4d: {  	vm12 =	veq.s32 v4, v3;
	_ =	sdelay $0x5  }
0x4e: {  	[tilespmem:v5+s10+$0x0] =	vst.idx.add.s32.msk vm12, v2  }
0x4f: {  	v4 =	vld [tilespmem:$0x190];
	_ =	sdelay $0x2  }
0x50: {  	v5 =	vld [tilespmem:$0x1D0];
	_ =	sdelay $0x1  }
0x51: {  	vm13 =	veq.s32 v4, v3;
	_ =	sdelay $0x5  }
0x52: {  	[tilespmem:v5+s10+$0x0] =	vst.idx.add.s32.msk vm13, v2  }
0x53: {  	v4 =	vld [tilespmem:$0x1A0];
	_ =	sdelay $0x2  }
0x54: {  	v5 =	vld [tilespmem:$0x1E0];
	_ =	sdelay $0x1  }
0x55: {  	vm14 =	veq.s32 v4, v3;
	_ =	sdelay $0x5  }
0x56: {  	[tilespmem:v5+s10+$0x0] =	vst.idx.add.s32.msk vm14, v2  }
0x57: {  	v4 =	vld [tilespmem:$0x1B0];
	_ =	sdelay $0x2  }
0x58: {  	v5 =	vld [tilespmem:$0x1F0];
	_ =	sdelay $0x1  }
0x59: {  	vm15 =	veq.s32 v4, v3  }
0x5a: {  	p0 =	sne.s32 s12, $0x9C0  }
.Ltmp1:
0x5b: {  	_ = 	snop;
	(pc) =	sbr.rel @p0 .LBB2_4-.Ltmp1, $2  }
0x5c: {  	_ =	sdelay $0x2  }
0x5d: {  	s12 =	sadd.s32 $0x40, s12;
	[tilespmem:v5+s10+$0x0] =	vst.idx.add.s32.msk vm15, v2  }
0x5e: {  	s11 =	sadd.s32 $0x1, s11  }
0x5f: {  	p0 =	sne.s32 s11, s5  }
.Ltmp2:
0x60: {  	_ = 	snop;
	(pc) =	sbr.rel @p0 .LBB2_1-.Ltmp2, $4  }
0x61: {  	[hbm4b:s4+s3] =	stream.linear.scatter [tilespmem:s10], [sflag:$0x2], $0x7620, $0x38;
	[tilespmem:$0x7830] =	vst v63  }
0x62: {  	_ =	swait.ge [sflag:s9], $0x7620  }
0x63: {  	[sflag:s9] =	ssyncset.done $0x0  }
0x64: {  	[sflag:s9] =	ssyncadd.s32 $0xFFFF89E0  }
0x65: {  	_ =	sfence.sel $0x180000  }
0x66: {  	[bflag:$0x0] =	sbarrier.arrive $0xFFFF  }
0x67: {  	p0 =	sne.s32 s0, $0x0;
	_ =	strace $0x90000047  }
0x68: {  	s0 =	sadd.s32 @!p0 $0x100000, s1;
	[bflag:$0x2] =	sbarrier.arrive $0xFFFF  }
0x69: {  	[sflag:s0] =	ssyncadd.tile.s32 @!p0 $0x1;
	_ =	shalt  }
.Lfunc_end2:
_tile_overlayer_lowered:
.L_overlay_start_2:
0x6a: {  	(tag) =	ssettag $0x2  }
0x6b: {  	s0 =	rddreg [dreg:$0x0];
	s2 =	stileid.u32  }
0x6c: {  	s1 =	rddreg [dreg:$0x1];
	p0 =	sne.s32 s2, $0x0  }
0x6d: {  	s3 =	rddreg [dreg:$0x2];
	[bflag:$0x3] =	sbarrier.arrive $0xFFFF;
	s2 =	simm.s32 @!p0 $0x1C02  }
0x6e: {  	[timem:s3], [sflag:s2] =	dma.local @!p0 [hbm:s0], s1  }
0x6f: {  	s0 =	simm.s32 @!p0 $0x2  }
0x70: {  	_ =	swait.ge @!p0 [sflag:s0], s1  }
0x71: {  	s1 =	ssub.s32 @!p0 $0x0, s1;
	[sflag:s0] =	ssyncset.done @!p0 $0x0  }
0x72: {  	[sflag:s0] =	ssyncadd.s32 @!p0 s1  }
0x73: {  	[bflag:$0x3] =	sbarrier.arrive $0xFFFF  }
0x74: {  	_ =	shalt  }

</sc_bundles>
